<compile_context>
chip_gen: v7x
topology: tpu7x:2x2x1
jax: 0.10.2.dev20260603
libtpu: 0.0.44.dev20260713+nightly
codegen_flags: <defaults>
</compile_context>

<pallas_src>
import jax
import jax.numpy as jnp
from jax.experimental import pallas as pl
from jax.experimental.pallas import tpu as pltpu

EPS = 0.001
SUPPORT = 300.0
BINS = 601
BINS_PAD = 640
ROWS_PER_BLOCK = 2048


def _twohot_block(scalar_ref, out_ref):
    x = scalar_ref[0, 0, :]
    x = jnp.where(jnp.isnan(x) | jnp.isinf(x), 0.0, x)
    t = jnp.sign(x) * (jnp.sqrt(jnp.abs(x) + 1.0) - 1.0) + EPS * x
    shifted = jnp.clip(t, -SUPPORT, SUPPORT) + SUPPORT
    colf = jax.lax.broadcasted_iota(
        jnp.int32, (x.shape[0], BINS_PAD), 1
    ).astype(jnp.float32)
    out_ref[:, :] = jnp.maximum(1.0 - jnp.abs(shifted[:, None] - colf), 0.0)


def _twohot_padded(chunk):
    m = chunk.shape[0]
    nblocks = m // ROWS_PER_BLOCK
    chunk3d = chunk.reshape(nblocks, 1, ROWS_PER_BLOCK)
    return pl.pallas_call(
        _twohot_block,
        grid=(nblocks,),
        in_specs=[pl.BlockSpec((1, 1, ROWS_PER_BLOCK), lambda i: (i, 0, 0))],
        out_specs=pl.BlockSpec((ROWS_PER_BLOCK, BINS_PAD), lambda i: (i, 0)),
        out_shape=jax.ShapeDtypeStruct((m, BINS_PAD), jnp.float32),
        compiler_params=pltpu.CompilerParams(
            dimension_semantics=("parallel",),
        ),
    )(chunk3d)


@jax.jit
def _twohot(scalar):
    return _twohot_padded(scalar)[:, :BINS]


def kernel(scalar, support_size):
    return _twohot(scalar)

# --- scband reference (transcript-rebuilt; emitter-appended) ---
"""Pipeline reference for scband-mu-zero-math-ops-85409719648927 (READ-ONLY COPY).

The authoritative reference and input builder live on the scoring server;
editing this copy changes nothing except your own understanding.
"""

import jax, jax.numpy as jnp
import numpy as np

EPSILON = 0.001


def setup_inputs(seed: int = 0) -> dict:
    key = jax.random.key(seed)
    scalar = jax.random.normal(key, (131072,), dtype=jnp.float32)
    return {"scalar": scalar, "support_size": 300}


def reference(scalar, support_size):
    epsilon = EPSILON
    safe_scalar = jnp.nan_to_num(scalar, nan=0.0, posinf=0.0, neginf=0.0)
    transformed = jnp.sign(safe_scalar) * (jnp.sqrt(jnp.abs(safe_scalar) + 1.0) - 1.0) + epsilon * safe_scalar
    support_size_f = jnp.asarray(support_size).astype(jnp.float32)
    clamped = jnp.clip(transformed.reshape(-1), -support_size_f, support_size_f)
    shifted = clamped + support_size_f
    floor_val = jnp.floor(shifted)
    ceil_val = jnp.ceil(shifted)
    upper_prob = shifted - floor_val
    lower_prob = 1.0 - upper_prob
    lower_idx = floor_val.astype(jnp.int32)
    upper_idx = ceil_val.astype(jnp.int32)
    batch_size = shifted.shape[0]
    batch_indices = jnp.arange(batch_size, dtype=jnp.int32)
    support_probs = jnp.zeros((batch_size, 2 * 300 + 1), dtype=jnp.float32)
    support_probs = support_probs.at[batch_indices, lower_idx].add(lower_prob)
    support_probs = support_probs.at[batch_indices, upper_idx].add(upper_prob)
    return support_probs

if __name__ == "__main__":
    import jax
    _d = setup_inputs()
    print(jax.jit(kernel)(*tuple(_d.values())))

</pallas_src>

<mosaic_0001>
module attributes {stable_mosaic.version = 14 : i64} {
  func.func @_twohot_block(%arg0: i32, %arg1: memref<1x1x2048xf32, #tpu.memory_space<vmem>>, %arg2: memref<2048x640xf32, #tpu.memory_space<vmem>>) attributes {dimension_semantics = [#tpu.dimension_semantics<parallel>], iteration_bounds = array<i64: 64>, scalar_prefetch = 0 : i64, scratch_operands = 0 : i64, tpu.core_type = #tpu.core_type<tc>, window_params = [{transform_indices = @transform_0, window_bounds = array<i64: 1, 1, 2048>}, {transform_indices = @transform_1, window_bounds = array<i64: 2048, 640>}]} {
    %get3A = arith.constant 0 : index
    %get3A_0 = arith.constant 0 : index
    %get3A_1 = arith.constant 0 : index
    %get3A_2 = vector.load %arg1[%get3A, %get3A_0, %get3A_1] : memref<1x1x2048xf32, #tpu.memory_space<vmem>>, vector<1x1x2048xf32>
    %get3A_3 = vector.shape_cast %get3A_2 : vector<1x1x2048xf32> to vector<2048xf32>
    %ne3A = arith.cmpf one, %get3A_3, %get3A_3 : vector<2048xf32>
    %abs3A = math.absf %get3A_3 : vector<2048xf32>
    %eq3A = arith.constant 0x7F800000 : f32
    %eq3A_4 = vector.broadcast %eq3A : f32 to vector<2048xf32>
    %eq3A_5 = arith.cmpf oeq, %abs3A, %eq3A_4 : vector<2048xf32>
    %or3A = arith.ori %ne3A, %eq3A_5 : vector<2048xi1>
    %jit3A = arith.constant 0.000000e+00 : f32
    %broadcast_in_dim3A = vector.broadcast %jit3A : f32 to vector<2048xf32>
    %select_n3A = arith.select %or3A, %broadcast_in_dim3A, %get3A_3 : vector<2048xi1>, vector<2048xf32>
    %sign3A = tpu.bitcast %select_n3A : vector<2048xf32> -> vector<2048xi32>
    %sign3A_6 = arith.constant -2147483648 : i32
    %sign3A_7 = vector.broadcast %sign3A_6 : i32 to vector<2048xi32>
    %sign3A_8 = arith.andi %sign3A, %sign3A_7 : vector<2048xi32>
    %sign3A_9 = arith.constant 1065353216 : i32
    %sign3A_10 = vector.broadcast %sign3A_9 : i32 to vector<2048xi32>
    %sign3A_11 = arith.ori %sign3A_10, %sign3A_8 : vector<2048xi32>
    %sign3A_12 = tpu.bitcast %sign3A_11 : vector<2048xi32> -> vector<2048xf32>
    %sign3A_13 = math.absf %select_n3A : vector<2048xf32>
    %sign3A_14 = arith.constant 0.000000e+00 : f32
    %sign3A_15 = vector.broadcast %sign3A_14 : f32 to vector<2048xf32>
    %sign3A_16 = arith.cmpf ogt, %sign3A_13, %sign3A_15 : vector<2048xf32>
    %sign3A_17 = arith.select %sign3A_16, %sign3A_12, %select_n3A : vector<2048xi1>, vector<2048xf32>
    %abs3A_18 = math.absf %select_n3A : vector<2048xf32>
    %add3A = arith.constant 1.000000e+00 : f32
    %add3A_19 = vector.broadcast %add3A : f32 to vector<2048xf32>
    %add3A_20 = arith.addf %abs3A_18, %add3A_19 : vector<2048xf32>
    %sqrt3A = math.sqrt %add3A_20 : vector<2048xf32>
    %sub3A = arith.constant 1.000000e+00 : f32
    %sub3A_21 = vector.broadcast %sub3A : f32 to vector<2048xf32>
    %sub3A_22 = arith.subf %sqrt3A, %sub3A_21 : vector<2048xf32>
    %mul3A = arith.mulf %sign3A_17, %sub3A_22 : vector<2048xf32>
    %mul3A_23 = arith.constant 1.000000e-03 : f32
    %mul3A_24 = vector.broadcast %mul3A_23 : f32 to vector<2048xf32>
    %mul3A_25 = arith.mulf %mul3A_24, %select_n3A : vector<2048xf32>
    %add3A_26 = arith.addf %mul3A, %mul3A_25 : vector<2048xf32>
    %jit3A_27 = arith.constant -3.000000e+02 : f32
    %jit3A_28 = arith.constant 3.000000e+02 : f32
    %max3A = vector.broadcast %jit3A_27 : f32 to vector<2048xf32>
    %max3A_29 = arith.maximumf %max3A, %add3A_26 : vector<2048xf32>
    %min3A = vector.broadcast %jit3A_28 : f32 to vector<2048xf32>
    %min3A_30 = arith.minimumf %min3A, %max3A_29 : vector<2048xf32>
    %add3A_31 = arith.constant 3.000000e+02 : f32
    %add3A_32 = vector.broadcast %add3A_31 : f32 to vector<2048xf32>
    %add3A_33 = arith.addf %min3A_30, %add3A_32 : vector<2048xf32>
    %iota3A = tpu.iota {dimensions = array<i32: 1>} : vector<2048x640xi32>
    %convert_element_type3A = arith.sitofp %iota3A : vector<2048x640xi32> to vector<2048x640xf32>
    %broadcast_in_dim3A_34 = vector.shape_cast %add3A_33 : vector<2048xf32> to vector<2048x1xf32>
    %sub3A_35 = vector.broadcast %broadcast_in_dim3A_34 : vector<2048x1xf32> to vector<2048x640xf32>
    %sub3A_36 = arith.subf %sub3A_35, %convert_element_type3A : vector<2048x640xf32>
    %abs3A_37 = math.absf %sub3A_36 : vector<2048x640xf32>
    %sub3A_38 = arith.constant 1.000000e+00 : f32
    %sub3A_39 = vector.broadcast %sub3A_38 : f32 to vector<2048x640xf32>
    %sub3A_40 = arith.subf %sub3A_39, %abs3A_37 : vector<2048x640xf32>
    %max3A_41 = arith.constant 0.000000e+00 : f32
    %max3A_42 = vector.broadcast %max3A_41 : f32 to vector<2048x640xf32>
    %max3A_43 = arith.maximumf %sub3A_40, %max3A_42 : vector<2048x640xf32>
    %swap3A = arith.constant 0 : index
    %swap3A_44 = arith.constant 0 : index
    %swap3A_45 = vector.load %arg2[%swap3A, %swap3A_44] : memref<2048x640xf32, #tpu.memory_space<vmem>>, vector<2048x640xf32>
    tpu.vector_store %arg2[%swap3A, %swap3A_44], %max3A_43 {strides = array<i32>} : memref<2048x640xf32, #tpu.memory_space<vmem>>, vector<2048x640xf32>,
    return
  }
  func.func @transform_0(%arg0: i32) -> (i32, i32, i32) {
    %c0_i32 = arith.constant 0 : i32
    %c0_i32_0 = arith.constant 0 : i32
    %c0_i32_1 = arith.constant 0 : i32
    return %arg0, %c0_i32, %c0_i32_0 : i32, i32, i32
  }
  func.func @transform_1(%arg0: i32) -> (i32, i32) {
    %c0_i32 = arith.constant 0 : i32
    %c0_i32_0 = arith.constant 0 : i32
    return %arg0, %c0_i32 : i32, i32
  }
}

</mosaic_0001>

<sc_bundles>
// kernel: sparse-core-data-format-call.cloned.1.call-start
scs
called_computation_lowered:
.L_overlay_start_0:
0x0: {  	s2 =	sld [smem:$0x3FD9]  }
0x1: {  	s3 =	sld [smem:$0x3FFE];
	_ =	sdelay $0x1  }
0x2: {  	s1 =	srdreg.scid  }
0x3: {  	s0 =	sand.u32 $0x1, s1  }
0x4: {  	s18 =	sshll.u32 s0, $0xA;
	s2 =	sadd.s32 s3, s2  }
0x5: {  	s2 =	sadd.s32 s2, s18  }
0x6: {  	[smem:$0x3FC7] =	sst s2  }
0x7: {  	_ = 	snop  }
0x8: {  	s2 =	sld [smem:$0x3FD0];
	(tm) =	ssettm $0x1  }
0x9: {  	s19 =	sld [smem:$0x3FFB];
	_ =	sdelay $0x3  }
0xa: {  	_ =	strace s19  }
0xb: {  	s3 =	sld [smem:$0x3FFC];
	_ =	sdelay $0x3  }
0xc: {  	_ =	strace s3  }
0xd: {  	s3 =	sld [smem:$0x3FFD];
	_ =	sdelay $0x3  }
0xe: {  	_ =	strace s3  }
0xf: {  	_ =	strace $0x8FFFFFFF  }
0x10: {  	s20 =	sld [smem:$0x3FDB];
	_ =	sdelay $0x1  }
0x11: {  	s4 =	simm.s32 $_scs_section_size  }
0x12: {  	s5 =	simm.s32 $_size__tile_overlayer_lowered;
	s6 =	simm.s32 $_tile_overlayer_lowered  }
0x13: {  	s23 =	simm.s32 $0x1BFF;
	s22 =	sshll.u32 s6, $0x1;
	s3 =	sadd.s32 s4, s20  }
0x14: {  	s7 =	simm.s32 $0x0;
	s21 =	sshll.u32 s5, $0x1;
	s5 =	sadd.s32 s22, s3  }
0x15: {  	[timem:s7], [sflag:s23] =	dma.local [hbm:s5], s21  }
0x16: {  	_ =	swait.ge [sflag:s23], s21  }
0x17: {  	s4 =	ssub.s32 $0x0, s21;
	[sflag:s23] =	ssyncset.done $0x0  }
0x18: {  	[sflag:s23] =	ssyncadd.s32 s4;
	_ =	sdelay $0x1  }
0x19: {  	s24 =	simm.s32 $0x1B8B  }
0x1a: {  	_ =	swait.ge [sflag:s24], $0x1  }
0x1b: {  	[sflag:s24] =	ssyncset.done $0x0  }
0x1c: {  	s26 =	simm.s32 $0x1B8E;
	s25 =	sld [smem:$0x3FFE];
	[sflag:s24] =	ssyncadd.s32 $0xFFFFFFFF  }
0x1d: {  	s27 =	simm.s32 $execute0_lowered;
	[smem:$0x3FD2] =	sst s26  }
0x1e: {  	s5 =	sshll.u32 s27, $0x1;
	_ =	strace $0x80000046;
	[dreg:$0x1] =	wrdreg $0xFFFFFFFF  }
0x1f: {  	s28 =	simm.s32 $_size_execute0_lowered;
	s3 =	sadd.s32 s3, s5;
	[dreg:$0x0] =	wrdreg $0x0  }
0x20: {  	s5 =	sshll.u32 s28, $0x1;
	[dreg:$0x2] =	wrdreg s3  }
0x21: {  	[dreg:$0x3] =	wrdreg s5  }
0x22: {  	[dreg:$0x4] =	wrdreg $0xC0  }
0x23: {  	_ =	task [dreg:s7], $0x5FFFF  }
0x24: {  	[dreg:$0x1] =	wrdreg $0xFFFFFFFF  }
0x25: {  	[dreg:$0x0] =	wrdreg $0x60  }
0x26: {  	[dreg:$0x2] =	wrdreg s25  }
0x27: {  	[dreg:$0x3] =	wrdreg s2  }
0x28: {  	[dreg:$0x4] =	wrdreg $0x9  }
0x29: {  	_ =	task.clear_ibuf [dreg:s7], $0x5FFFF;
	_ =	strace $0x90000046  }
0x2a: {  	s29 =	simm.s32 $0x9;
	_ =	strace $0x80000048  }
0x2b: {  	_ =	swait.ge [sflag:s29], $0x1  }
0x2c: {  	[sflag:s29] =	ssyncadd.s32 $0xFFFFFFFF  }
0x2d: {  	_ =	strace $0x90000048  }
0x2e: {  	_ =	sfence  }
0x2f: {  	s30 =	sld [smem:$0x0];
	_ =	sdelay $0x2  }
0x30: {  	s31 =	sshll.u32 s1, $0xD;
	s1 =	sshrl.u32 s1, $0x2  }
0x31: {  	s3 =	sand.u32 $0x4000, s31;
	s1 =	sadd.s32 s1, s30  }
0x32: {  	s0 =	sor.u32 s3, s0;
	s1 =	sshll.u32 s1, $0x11  }
0x33: {  	s0 =	sor.u32 s1, s0  }
0x34: {  	s0 =	sadd.s32 $0x8F2B, s0  }
0x35: {  	[sflag:s0] =	ssyncadd.remote.s32 $0x1  }
0x36: {  	_ =	sfence.sel $0xFFFF  }
0x37: {  	[dreg:$0x0] =	wrdreg $0xFFFFFFFF;
	(pc) =	sbr.abs _section_cstart, $3  }
0x38: {  	[dreg:$0x1] =	wrdreg $0xFFFFFFFF  }
0x39: {  	_ =	task.clear_ibuf [dreg:s7], $0x2FFFF;
	_ =	strace $0x9FFFFFFF  }
0x3a: {  	(tm) =	ssettm $0x7FFFFFFF  }
0x3b: {  	_ =	shalt  }
tec
execute0_lowered:
.L_overlay_start_1:
0x0: {  	(tag) =	ssettag $0x1  }
0x1: {  	s0 =	srdreg.scid  }
0x2: {  	s1 =	sshll.u32 s0, $0x4  }
0x3: {  	s6 =	rddreg [dreg:$0x0];
	s0 =	stileid.u32;
	s1 =	sand.u32 $0x10, s1  }
0x4: {  	s3 =	rddreg [dreg:$0x1];
	s1 =	sor.u32 s0, s1  }
0x5: {  	s5 =	simm.s32 $0x1;
	s31 =	simm.s32 $0x2;
	s2 =	sshll.u32 s1, $0x7  }
0x6: {  	s15 =	simm.s32 $0x0;
	s8 =	simm.s32 $0x100000;
	s4 =	ssub.s32 $0x20000, s2  }
0x7: {  	s14 =	simm.s32 $0x0;
	s9 =	simm.s32 $0x0;
	s30 =	sand.u32 $0xF80, s4  }
0x8: {  	s10 =	simm.s32 $0x0;
	s11 =	simm.s32 $0x0;
	p0 =	sne.s32 s30, $0x0  }
.Ltmp0:
0x9: {  	s7 =	sshrl.u32 s4, $0xC;
	s5 =	simm.s32 @!p0 $0x0;
	(pc) =	sbr.rel .LBB1_1-.Ltmp0, $4  }
0xa: {  	s13 =	simm.s32 $0x0;
	s1 =	rddreg [dreg:$0x2];
	s5 =	sadd.s32 s5, s7  }
0xb: {  	_ =	strace $0x80000047;
	s4 =	simm.s32 $0x1;
	s5 =	smul.u32 $0x5, s5  }
0xc: {  	s6 =	sadd.s32 $0x600, s6;
	s12 =	smov.u32 s2;
	[sflag:s4] =	ssyncpa.u1 $0x0  }
0xd: {  	[sflag:s31] =	ssyncpa.u1 $0x0;
	p0 =	por $0x0, $0x0;
	s7 =	sadd.s32 $0x1, s5  }
.LBB1_4:
0xe: {  	s21 =	sshll.u32 s9, $0x11;
	s22 =	sshll.u32 s10, $0x3;
	s20 =	sshra.s32 s20, $0x2  }
0xf: {  	s28 =	sand.u32 $0x78, s10;
	s29 =	sshll.u32 s9, $0x7;
	p1 =	sgt.s32 s9, $0x1E0  }
0x10: {  	s25 =	sshra.s32 s9, $0x1F;
	s31 =	sshra.s32 s10, $0x1F;
	s21 =	sand.u32 $0xFFF00000, s21  }
0x11: {  	s23 =	sand.u32 $0xFFFFFC00, s22;
	s19 =	sadd.s32 s20, s19;
	s22 =	sand.u32 $0x1FC00, s22  }
0x12: {  	v5 =	vld [tilespmem:s17+$0xFFFFFFD0];
	[tilespmem:s18+$0x2040 ss:$0x81] =	vst.msk $0xffff, v4;
	s25 =	sand.u32 s25, s9;
	s27 =	sadd.s32 s23, s21;
	s23 =	sand.u32 $0x380, s29  }
0x13: {  	v58 =	vld [tilespmem:s17+$0xFFFFFFE0];
	[tilespmem:s18+$0x2850 ss:$0x81] =	vst.msk $0xffff, v3;
	s21 =	sor.u32 s28, s22;
	s22 =	smov.u32 s9;
	s20 =	sshrl.u32 s27, $0x11  }
0x14: {  	v59 =	vld [tilespmem:s17+$0xFFFFFFF0];
	[tilespmem:s18+$0x3060 ss:$0x81] =	vst.msk $0xffff, v2;
	s22 =	simm.s32 @!p1 $0x1E0;
	p1 =	sgt.s32 s10, $0x1FF80;
	s24 =	smul.u32 $0xD795, s20  }
0x15: {  	v60 =	vld [tilespmem:s17+$0x0];
	[tilespmem:s18+$0x0 ss:$0x81] =	vst.msk $0xffff, v1;
	s21 =	sor.u32 s23, s21;
	s30 =	ssub.s32 s22, s25;
	s22 =	smov.u32 s10  }
0x16: {  	v61 =	vld [tilespmem:s17+$0x10];
	[tilespmem:s19+$0x3870 ss:$0x81] =	vst.msk $0xffff, v0;
	s25 =	sand.u32 s31, s10;
	s22 =	simm.s32 @!p1 $0x1FF80;
	s24 =	sshrl.u32 s24, $0x19  }
0x17: {  	v62 =	vld [tilespmem:s17+$0x20];
	[tilespmem:s19+$0x810 ss:$0x81] =	vst.msk $0xffff, v5;
	s26 =	sadd.s32 $0xFFFFFE20, s30;
	s22 =	ssub.s32 s22, s25;
	s24 =	smul.u32 $0x260, s24  }
0x18: {  	v63 =	vld [tilespmem:s17+$0xFFFFFFC0];
	[tilespmem:s19+$0x1020 ss:$0x81] =	vst.msk $0xffff, v58;
	s18 =	ssub.s32 $0x260, s30;
	p1 =	sgt.s32 s26, $0x7F;
	s28 =	sadd.s32 $0xFFFE0080, s22  }
0x19: {  	[tilespmem:s19+$0x1830 ss:$0x81] =	vst.msk $0xffff, v59;
	p2 =	sgt.s32 s28, $0x7F;
	s27 =	ssub.s32 s20, s24;
	s20 =	ssub.s32 $0x20000, s22  }
0x1a: {  	s29 =	sshrl.u32 s21, $0x3;
	[tilespmem:s19+$0x2040 ss:$0x81] =	vst.msk $0xffff, v60;
	s18 =	simm.s32 @p1 $0x0;
	s20 =	simm.s32 @p2 $0x0  }
0x1b: {  	[tilespmem:s19+$0x2850 ss:$0x81] =	vst.msk $0xffff, v61;
	s30 =	sand.u32 $0x7, s10;
	s17 =	sand.u32 $0xFFFF, s27;
	s18 =	smul.u32 s20, s18  }
0x1c: {  	[tilespmem:s19+$0x3060 ss:$0x81] =	vst.msk $0xffff, v62;
	s21 =	sshll.u32 s30, $0x12;
	s17 =	sshll.u32 s17, $0xE;
	s20 =	sadd.s32 s3, s29  }
0x1d: {  	[tilespmem:s19+$0x0 ss:$0x81] =	vst.msk $0xffff, v63;
	s31 =	sor.u32 $0x400, s21;
	s17 =	sadd.s32 s17, s20;
	s18 =	sand.u32 $0x3FFFFFFF, s18  }
0x1e: {  	[hbm4b:s17+s31] =	stream.strided.scatter [tilespmem:s16], [sflag:$0x2], s18, s8, s31, $0x20;
	[tilespmem:$0x10100] =	vst v63  }
.LBB1_5:
0x1f: {  	p1 =	slt.u32 s13, $0x2  }
0x20: {  	s17 =	smov.u32 s15;
	p2 =	sgt.s32 @!p1 s15, $0x1E0;
	s16 =	sshra.s32 @!p1 s15, $0x1F  }
0x21: {  	p3 =	sgt.s32 @!p1 s14, $0x1FF80;
	s18 =	sshra.s32 @!p1 s14, $0x1F;
	p2 =	por !p2, p1  }
0x22: {  	s15 =	sand.u32 @!p1 s16, s15;
	p3 =	por !p3, p1;
	s16 =	smov.u32 s14  }
0x23: {  	s14 =	sand.u32 @!p1 s18, s14;
	s17 =	simm.s32 @p2 $0x1E0;
	s16 =	simm.s32 @p3 $0x1FF80  }
0x24: {  	s15 =	ssub.s32 @!p1 s17, s15;
	s14 =	ssub.s32 @!p1 s16, s14  }
0x25: {  	s18 =	smov.u32 s12;
	s16 =	sadd.s32 @!p1 $0xFFFFFE20, s15;
	s17 =	sadd.s32 @!p1 $0xFFFE0080, s14  }
0x26: {  	s15 =	ssub.s32 @!p1 $0x260, s15;
	p2 =	sgt.s32 @!p1 s16, $0x7F;
	p3 =	sgt.s32 @!p1 s17, $0x7F  }
0x27: {  	s14 =	ssub.s32 @!p1 $0x20000, s14;
	p2 =	por !p2, p1;
	p3 =	por !p3, p1  }
0x28: {  	s16 =	sadd.s32 $0x80, s11;
	s15 =	simm.s32 @!p2 $0x0;
	s14 =	simm.s32 @!p3 $0x0  }
0x29: {  	p2 =	sgt.s32 s16, $0x258;
	s14 =	smul.u32 @!p1 s14, s15;
	s15 =	sadd.s32 $0x1000, s12  }
0x2a: {  	s18 =	smov.u32 @p2 s15  }
0x2b: {  	s16 =	simm.s32 @p2 $0x0;
	p2 =	sgt.s32 s18, $0x1FFFF  }
0x2c: {  	s18 =	smov.u32 @p2 s2;
	p2 =	sne.s32 s13, s7  }
.Ltmp1:
0x2d: {  	p0 =	por !p0, !p0;
	s17 =	simm.s32 @!p1 $0x2;
	(pc) =	sbr.rel @!p2 .LBB1_6-.Ltmp1, $4  }
0x2e: {  	s15 =	smov.u32 s9;
	s9 =	smov.u32 s11;
	s14 =	sand.u32 @!p1 $0x3FFFFFFF, s14  }
0x2f: {  	s11 =	smov.u32 s16;
	_ =	swait.ge @!p1 [sflag:s17], s14;
	s19 =	ssub.s32 @!p1 $0x0, s14  }
0x30: {  	s14 =	smov.u32 s10;
	s13 =	sadd.s32 $0x1, s13;
	[sflag:s17] =	ssyncset.done @!p1 $0x0  }
0x31: {  	s10 =	smov.u32 s12;
	s12 =	smov.u32 s18;
	[sflag:s17] =	ssyncadd.s32 @!p1 s19  }
.LBB1_1:
0x32: {  	p1 =	sge.u32 s13, s5  }
0x33: {  	s16 =	sshrl.u32 @!p1 s12, $0x3  }
0x34: {  	s17 =	sshll.u32 @!p1 s11, $0x3;
	s16 =	smul.u32 @!p1 $0x1400, s16  }
0x35: {  	s18 =	sshll.u32 @!p1 s12, $0x7;
	s17 =	sand.u32 @!p1 $0xFFFFFC00, s17  }
0x36: {  	s16 =	sadd.s32 @!p1 s16, s17;
	s17 =	sand.u32 @!p1 $0x380, s18  }
0x37: {  	s18 =	sand.u32 @!p1 $0x7F, s11;
	s16 =	sor.u32 @!p1 s17, s16  }
0x38: {  	s17 =	sor.u32 @!p1 s18, s16  }
0x39: {  	s18 =	smulhi.u32 @!p1 $0xCCCCCCCD, s17;
	_ =	sdelay $0x1  }
0x3a: {  	s16 =	smulhi.u32 @!p1 $0xCCCCCCCD, s16;
	s18 =	sshrl.u32 @!p1 s18, $0x9  }
0x3b: {  	s18 =	smul.u32 @!p1 $0x280, s18  }
0x3c: {  	s31 =	sadd.s32 $0xFFFFFFFF, s13;
	s19 =	sxor.u32 @!p1 $0xFFFFFFFF, s13;
	s16 =	sshrl.u32 @!p1 s16, $0x9  }
0x3d: {  	s19 =	sshll.u32 @!p1 s19, $0xE;
	s16 =	sand.u32 @!p1 $0x1FFFF, s16;
	s17 =	ssub.s32 @!p1 s17, s18  }
0x3e: {  	s16 =	smul.u32 @!p1 $0x50, s16;
	s18 =	sshrl.u32 @!p1 s17, $0x3;
	s17 =	sand.u32 @!p1 $0x7, s17  }
0x3f: {  	s19 =	sand.u32 @!p1 $0x4000, s19;
	s18 =	sadd.s32 @!p1 s6, s18;
	s17 =	sshll.u32 @!p1 s17, $0x12  }
0x40: {  	s16 =	sadd.s32 @!p1 s16, s18;
	s17 =	sor.u32 @!p1 $0x400, s17;
	s18 =	simm.s32 @!p1 $0x1400  }
0x41: {  	[tilespmem:s19], [sflag:$0x1] =	stream.strided.gather @!p1 [hbm4b:s16+s17], $0x4000, s18, s17, $0x38;
	[tilespmem:$0x10100] =	vst v63  }
0x42: {  	p1 =	sge.u32 s31, s5  }
.Ltmp2:
0x43: {  	_ = 	snop;
	(pc) =	sbr.rel @p1 .LBB1_5-.Ltmp2, $1  }
0x44: {  	_ =	sdelay $0x3  }
0x45: {  	s16 =	simm.s32 $0x1  }
0x46: {  	_ =	swait.ge [sflag:s4], $0x4000;
	s16 =	simm.s32 @!p0 $0x0  }
0x47: {  	[sflag:s4] =	ssyncset.done $0x0;
	s17 =	sshll.u32 s16, $0xE  }
0x48: {  	[sflag:s4] =	ssyncadd.s32 $0xFFFFC000;
	s17 =	sor.u32 $0x40, s17  }
0x49: {  	s16 =	smul.u32 $0x10200, s16;
	v0 =	vld [tilespmem:s17+$0x30]  }
0x4a: {  	v1 =	vld [tilespmem:s17+$0xFFFFFFD0]  }
0x4b: {  	s16 =	sshrl.u32 s16, $0x2;
	v5 =	vld [tilespmem:s17+$0xFFFFFFE0]  }
0x4c: {  	v6 =	vld [tilespmem:s17+$0xFFFFFFF0];
	s19 =	sor.u32 $0x8000, s16  }
0x4d: {  	s31 =	sand.u32 $0x1, s13;
	v4 =	vld [tilespmem:s17+$0x0];
	s18 =	sadd.s32 $0x0, s19  }
0x4e: {  	v3 =	vld [tilespmem:s17+$0x10];
	s16 =	smul.u32 $0x10200, s31;
	[tilespmem:s18+$0x3870 ss:$0x81] =	vst.msk $0xffff, v0  }
0x4f: {  	v2 =	vld [tilespmem:s17+$0x20];
	[tilespmem:s18+$0x810 ss:$0x81] =	vst.msk $0xffff, v1  }
0x50: {  	s16 =	sshrl.u32 s16, $0x2;
	v1 =	vld [tilespmem:s17+$0xFFFFFFC0];
	[tilespmem:s18+$0x1020 ss:$0x81] =	vst.msk $0xffff, v5;
	s17 =	sadd.s32 $0x80, s17  }
0x51: {  	s20 =	simm.s32 $0x4;
	s21 =	simm.s32 $0x8;
	s16 =	sor.u32 $0x8000, s16;
	[tilespmem:s18+$0x1830 ss:$0x81] =	vst.msk $0xffff, v6;
	v0 =	vld [tilespmem:s17+$0x30]  }
.LBB1_3:
0x52: {  	p1 =	sne.s32 s21, $0x1FC;
	v5 =	vld [tilespmem:s17+$0xFFFFFFD0];
	[tilespmem:s18+$0x2040 ss:$0x81] =	vst.msk $0xffff, v4  }
0x53: {  	v6 =	vld [tilespmem:s17+$0xFFFFFFE0];
	[tilespmem:s18+$0x2850 ss:$0x81] =	vst.msk $0xffff, v3  }
0x54: {  	s22 =	sshra.s32 s20, $0x2;
	s20 =	smov.u32 s21;
	v7 =	vld [tilespmem:s17+$0xFFFFFFF0];
	[tilespmem:s18+$0x3060 ss:$0x81] =	vst.msk $0xffff, v2  }
.Ltmp3:
0x55: {  	v4 =	vld [tilespmem:s17+$0x0];
	[tilespmem:s18+$0x0 ss:$0x81] =	vst.msk $0xffff, v1;
	s18 =	sadd.s32 s22, s19;
	(pc) =	sbr.rel @p1 .LBB1_3-.Ltmp3, $4  }
0x56: {  	v3 =	vld [tilespmem:s17+$0x10];
	[tilespmem:s18+$0x3870 ss:$0x81] =	vst.msk $0xffff, v0  }
0x57: {  	[tilespmem:s18+$0x810 ss:$0x81] =	vst.msk $0xffff, v5;
	v2 =	vld [tilespmem:s17+$0x20]  }
0x58: {  	v1 =	vld [tilespmem:s17+$0xFFFFFFC0];
	[tilespmem:s18+$0x1020 ss:$0x81] =	vst.msk $0xffff, v6;
	s17 =	sadd.s32 $0x80, s17  }
0x59: {  	s21 =	sadd.s32 $0x4, s21;
	v0 =	vld [tilespmem:s17+$0x30];
	[tilespmem:s18+$0x1830 ss:$0x81] =	vst.msk $0xffff, v7  }
.Ltmp4:
0x5a: {  	_ = 	snop;
	(pc) =	sbr.rel .LBB1_4-.Ltmp4, $1  }
0x5b: {  	_ =	sdelay $0x3  }
.LBB1_6:
0x5c: {  	_ =	sfence.sel $0x180000  }
0x5d: {  	s2 =	simm.s32 $0x1;
	[bflag:$0x0] =	sbarrier.arrive $0xFFFF  }
0x5e: {  	s31 =	simm.s32 $0x2;
	[sflag:s2] =	ssyncpa.u1 $0x1  }
0x5f: {  	[sflag:s31] =	ssyncpa.u1 $0x1  }
0x60: {  	p0 =	sne.s32 s0, $0x0;
	_ =	strace $0x90000047  }
0x61: {  	s0 =	sadd.s32 @!p0 $0x100000, s1;
	[bflag:$0x2] =	sbarrier.arrive $0xFFFF  }
0x62: {  	[sflag:s0] =	ssyncadd.tile.s32 @!p0 $0x1;
	_ =	shalt  }
.Lfunc_end1:
_tile_overlayer_lowered:
.L_overlay_start_2:
0x63: {  	(tag) =	ssettag $0x2  }
0x64: {  	s0 =	rddreg [dreg:$0x0];
	s2 =	stileid.u32  }
0x65: {  	s1 =	rddreg [dreg:$0x1];
	p0 =	sne.s32 s2, $0x0  }
0x66: {  	s3 =	rddreg [dreg:$0x2];
	[bflag:$0x3] =	sbarrier.arrive $0xFFFF;
	s2 =	simm.s32 @!p0 $0x1C01  }
0x67: {  	[timem:s3], [sflag:s2] =	dma.local @!p0 [hbm:s0], s1  }
0x68: {  	s0 =	simm.s32 @!p0 $0x1  }
0x69: {  	_ =	swait.ge @!p0 [sflag:s0], s1  }
0x6a: {  	s1 =	ssub.s32 @!p0 $0x0, s1;
	[sflag:s0] =	ssyncset.done @!p0 $0x0  }
0x6b: {  	[sflag:s0] =	ssyncadd.s32 @!p0 s1  }
0x6c: {  	[bflag:$0x3] =	sbarrier.arrive $0xFFFF  }
0x6d: {  	_ =	shalt  }

</sc_bundles>
